<compile_context>
chip_gen: v7x
topology: tpu7x:2x2x1
jax: 0.10.2.dev20260603
libtpu: 0.0.44.dev20260713+nightly
codegen_flags: <defaults>
</compile_context>

<pallas_src>
import functools

import jax
import jax.numpy as jnp
from jax import lax
from jax.experimental import pallas as pl
from jax.experimental.pallas import tpu as pltpu
from jax.experimental.pallas import tpu_sc as plsc

N_NODES = 10000
N_EDGES = 320000
D = 128

NC, NS = 2, 16
NW = NC * NS
EPT = N_EDGES // NW
CHUNK = 88
NCHUNKS = 114
EPT_P = NCHUNKS * CHUNK
N_PAD = 10240
ROWS_PT = N_PAD // NS


def _sc_aggregate(x, src_f, dst_f, zf, zc, ones):
  mesh = plsc.VectorSubcoreMesh(
      core_axis_name="c", subcore_axis_name="s", num_cores=NC, num_subcores=NS)

  @functools.partial(
      pl.kernel,
      out_type=(
          jax.ShapeDtypeStruct((NC, N_PAD, D), jnp.float32),
          jax.ShapeDtypeStruct((NC, N_PAD), jnp.float32),
      ),
      mesh=mesh,
      scratch_types=[
          pltpu.VMEM((EPT_P,), jnp.int32),
          pltpu.VMEM((NCHUNKS, CHUNK), jnp.int32),
          pltpu.VMEM((2, CHUNK, D), jnp.float32),
          pltpu.VMEM((CHUNK,), jnp.float32),
          pltpu.VMEM_SHARED((N_PAD, D), jnp.float32),
          pltpu.VMEM_SHARED((N_PAD,), jnp.float32),
          pltpu.SemaphoreType.DMA,
          pltpu.SemaphoreType.DMA,
          pltpu.SemaphoreType.DMA,
      ],
  )
  def agg(x_hbm, src_hbm, dst_hbm, zf_hbm, zc_hbm, ones_hbm, of_hbm, oc_hbm,
          src_v, dst_v, rows_v, ones_v, acc_f, acc_c, sem0, sem1, semi):
    c = lax.axis_index("c")
    s = lax.axis_index("s")
    wid = c * NS + s
    row0 = s * ROWS_PT
    ebase = wid * EPT_P

    def fire(j, carry):
      pltpu.async_copy(dst_hbm.at[pl.ds(ebase + j * CHUNK, CHUNK)],
                       dst_v.at[j], semi)
      return carry
    lax.fori_loop(0, NCHUNKS, fire, 0)
    pltpu.sync_copy(src_hbm.at[pl.ds(ebase, EPT_P)], src_v)
    pltpu.sync_copy(ones_hbm, ones_v)

    def zero_rows(i, carry):
      r = row0 + i * 128
      pltpu.sync_copy(zf_hbm.at[pl.ds(r, 128)], acc_f.at[pl.ds(r, 128)])
      return carry
    lax.fori_loop(0, ROWS_PT // 128, zero_rows, 0)
    pltpu.sync_copy(zc_hbm.at[pl.ds(row0, ROWS_PT)],
                    acc_c.at[pl.ds(row0, ROWS_PT)])

    def drain(j, carry):
      pltpu.make_async_copy(dst_hbm.at[pl.ds(ebase + j * CHUNK, CHUNK)],
                            dst_v.at[j], semi).wait()
      return carry
    lax.fori_loop(0, NCHUNKS, drain, 0)

    pltpu.async_copy(x_hbm.at[src_v.at[pl.ds(0, CHUNK)]], rows_v.at[0], sem0)

    plsc.subcore_barrier()

    def step(j, carry):
      jm = lax.rem(j, 2)
      pltpu.make_async_copy(
          x_hbm.at[src_v.at[pl.ds(j * CHUNK, CHUNK)]], rows_v.at[jm],
          sem0).wait()

      @pl.when(j > 0)
      def _():
        jp = j - 1
        jpm = lax.rem(jp, 2)
        pltpu.make_async_copy(rows_v.at[jpm], acc_f.at[dst_v.at[jp]],
                              sem1).wait()
        pltpu.make_async_copy(ones_v, acc_c.at[dst_v.at[jp]], sem1).wait()

      pltpu.async_copy(rows_v.at[jm], acc_f.at[dst_v.at[j]], sem1, add=True)
      pltpu.async_copy(ones_v, acc_c.at[dst_v.at[j]], sem1, add=True)

      @pl.when(j + 1 < NCHUNKS)
      def _():
        jn = j + 1
        pltpu.async_copy(x_hbm.at[src_v.at[pl.ds(jn * CHUNK, CHUNK)]],
                         rows_v.at[lax.rem(jn, 2)], sem0)
      return carry
    lax.fori_loop(0, NCHUNKS, step, 0)

    jl = NCHUNKS - 1
    pltpu.make_async_copy(rows_v.at[lax.rem(jl, 2)], acc_f.at[dst_v.at[jl]],
                          sem1).wait()
    pltpu.make_async_copy(ones_v, acc_c.at[dst_v.at[jl]], sem1).wait()

    plsc.subcore_barrier()
    def write_rows(i, carry):
      r = row0 + i * 128
      pltpu.sync_copy(acc_f.at[pl.ds(r, 128)], of_hbm.at[c, pl.ds(r, 128)])
      return carry
    lax.fori_loop(0, ROWS_PT // 128, write_rows, 0)
    pltpu.sync_copy(acc_c.at[pl.ds(row0, ROWS_PT)],
                    oc_hbm.at[c, pl.ds(row0, ROWS_PT)])

  return agg(x, src_f, dst_f, zf, zc, ones)


def _tc_finish(x, pf, pc, W, b2):
  blk = 1000

  def body(pf_ref, pc_ref, x_ref, w_ref, b_ref, o_ref):
    ssum = pf_ref[0] + pf_ref[1]
    cnt = pc_ref[:, 0:1] + pc_ref[:, 1:2]
    mean = ssum / jnp.maximum(cnt, 1.0)
    h = jnp.where(cnt > 0.0, mean, x_ref[...])
    y = lax.dot_general(h, w_ref[...], (((1,), (1,)), ((), ())),
                        preferred_element_type=jnp.float32)
    o_ref[...] = jnp.maximum(y + b_ref[...], 0.0)

  return pl.pallas_call(
      body,
      grid=(N_NODES // blk,),
      in_specs=[
          pl.BlockSpec((2, blk, D), lambda i: (0, i, 0)),
          pl.BlockSpec((blk, 2), lambda i: (i, 0)),
          pl.BlockSpec((blk, D), lambda i: (i, 0)),
          pl.BlockSpec((D, D), lambda i: (0, 0)),
          pl.BlockSpec((1, D), lambda i: (0, 0)),
      ],
      out_specs=pl.BlockSpec((blk, D), lambda i: (i, 0)),
      out_shape=jax.ShapeDtypeStruct((N_NODES, D), jnp.float32),
  )(pf, pc, x, W, b2)


def kernel(x, edge_index, W, b):
  ei = edge_index.astype(jnp.int32)
  pad = ((0, 0), (0, EPT_P - EPT))
  src_f = jnp.pad(ei[0].reshape(NW, EPT), pad,
                  constant_values=0).reshape(NW * EPT_P)
  dst_f = jnp.pad(ei[1].reshape(NW, EPT), pad,
                  constant_values=N_NODES).reshape(NW * EPT_P)
  zf = jnp.zeros((N_PAD, D), jnp.float32)
  zc = jnp.zeros((N_PAD,), jnp.float32)
  ones = jnp.ones((CHUNK,), jnp.float32)
  pf, pc = _sc_aggregate(x, src_f, dst_f, zf, zc, ones)
  return _tc_finish(x, pf, pc.T, W, b.reshape(1, D))

# --- scband reference (transcript-rebuilt; emitter-appended) ---
"""Pipeline reference for scband-gcn-3298534884317 (READ-ONLY COPY).

The authoritative reference and input builder live on the scoring server;
editing this copy changes nothing except your own understanding.
"""

import jax, jax.numpy as jnp
import numpy as np

N_NODES = 10000
N_EDGES = 320000
D_IN = 128
D_OUT = 128


def setup_inputs(seed: int = 0) -> dict:
    key = jax.random.key(seed)
    k_x, k_e, k_w, k_b = jax.random.split(key, 4)
    x = jax.random.normal(k_x, (N_NODES, D_IN), dtype=jnp.float32)
    edge_index = jax.random.randint(k_e, (2, N_EDGES), 0, N_NODES, dtype=jnp.int64)
    # nn.Linear(in_feats, out_feats) params: W [out, in], b [out]
    bound = 1.0 / np.sqrt(D_IN)
    W = jax.random.uniform(k_w, (D_OUT, D_IN), minval=-bound, maxval=bound, dtype=jnp.float32)
    b = jax.random.uniform(k_b, (D_OUT,), minval=-bound, maxval=bound, dtype=jnp.float32)
    return {"x": x, "edge_index": edge_index, "W": W, "b": b}


def reference(x, edge_index, W, b):
    # DGL update_all(copy_src('h'), mean-reduce): for each dst node, mean of
    # source-node features over incoming edges. Nodes with zero in-degree keep
    # their original feature (DGL only overwrites nodes that received messages).
    src = edge_index[0]
    dst = edge_index[1]
    msgs = jnp.take(x, src, axis=0)  # gather src features [E, D_IN]
    summed = jax.ops.segment_sum(msgs, dst, num_segments=N_NODES)
    cnt = jax.ops.segment_sum(jnp.ones((msgs.shape[0],), dtype=x.dtype), dst, num_segments=N_NODES)
    mean = summed / jnp.maximum(cnt, 1.0)[:, None]
    h = jnp.where((cnt > 0)[:, None], mean, x)
    # apply_nodes: ReLU(W h + b)
    out = jax.nn.relu(h @ W.T + b)
    return out

if __name__ == "__main__":
    import jax
    _d = setup_inputs()
    print(jax.jit(kernel)(*tuple(_d.values())))

</pallas_src>

<mosaic_0001>
#map = affine_map<(d0, d1) -> (0, 0)>
#map1 = affine_map<(d0, d1) -> (0)>
#map2 = affine_map<(d0, d1) -> (0, 0, 0)>
module attributes {stable_mosaic.version = 14 : i64} {
  func.func @agg(%arg0: i32, %arg1: i32, %arg2: memref<10000x128xf32, #tpu.memory_space<hbm>>, %arg3: memref<321024xi32, #tpu.memory_space<hbm>>, %arg4: memref<321024xi32, #tpu.memory_space<hbm>>, %arg5: memref<10240x128xf32, #tpu.memory_space<hbm>>, %arg6: memref<10240xf32, #tpu.memory_space<hbm>>, %arg7: memref<88xf32, #tpu.memory_space<hbm>>, %arg8: memref<2x10240x128xf32, #tpu.memory_space<hbm>>, %arg9: memref<2x10240xf32, #tpu.memory_space<hbm>>, %arg10: memref<10032xi32, #tpu.memory_space<vmem>>, %arg11: memref<114x88xi32, #tpu.memory_space<vmem>>, %arg12: memref<2x88x128xf32, #tpu.memory_space<vmem>>, %arg13: memref<88xf32, #tpu.memory_space<vmem>>, %arg14: memref<10240x128xf32, #tpu.memory_space<vmem_shared>>, %arg15: memref<10240xf32, #tpu.memory_space<vmem_shared>>, %arg16: memref<!tpu.dma_semaphore, #tpu.memory_space<semaphore_mem>>, %arg17: memref<!tpu.dma_semaphore, #tpu.memory_space<semaphore_mem>>, %arg18: memref<!tpu.dma_semaphore, #tpu.memory_space<semaphore_mem>>) attributes {dimension_semantics = [#tpu.dimension_semantics<core_parallel>, #tpu.dimension_semantics<subcore_parallel>], iteration_bounds = array<i64: 2, 16>, scalar_prefetch = 0 : i64, scratch_operands = 9 : i64, tpu.core_type = #tpu.core_type<sc_vector_subcore>, window_params = [{transform_indices = #map}, {transform_indices = #map1}, {transform_indices = #map1}, {transform_indices = #map}, {transform_indices = #map1}, {transform_indices = #map1}, {transform_indices = #map2}, {transform_indices = #map}]} {
    %mul3A = arith.constant 16 : i32
    %mul3A_0 = arith.muli %arg0, %mul3A : i32
    %add3A = arith.addi %mul3A_0, %arg1 : i32
    %mul3A_1 = arith.constant 640 : i32
    %mul3A_2 = arith.muli %arg1, %mul3A_1 : i32
    %mul3A_3 = arith.constant 10032 : i32
    %mul3A_4 = arith.muli %add3A, %mul3A_3 : i32
    %scan3A = arith.constant 0 : i32
    %scan3A_5 = arith.constant 0 : i32
    %scan3A_6 = arith.constant 114 : i32
    %scan3A_7 = arith.addi %scan3A_5, %scan3A_6 : i32
    %scan3A_8 = arith.constant 1 : i32
    scf.for %scan3A_62 = %scan3A_5 to %scan3A_7 step %scan3A_8  : i32 {
      %mul3A_63 = arith.constant 88 : i32
      %mul3A_64 = arith.muli %scan3A_62, %mul3A_63 : i32
      %add3A_65 = arith.addi %mul3A_4, %mul3A_64 : i32
      %dma_start3A_66 = arith.constant 0 : i32
      %dma_start3A_67 = tpu.memref_slice %arg11[%scan3A_62, %dma_start3A_66] : memref<114x88xi32, #tpu.memory_space<vmem>> -> memref<1x88xi32, #tpu.memory_space<vmem>>
      %dma_start3A_68 = tpu.memref_squeeze %dma_start3A_67 : memref<1x88xi32, #tpu.memory_space<vmem>> -> memref<88xi32, #tpu.memory_space<vmem>>
      %dma_start3A_69 = tpu.memref_slice %arg4[%add3A_65] : memref<321024xi32, #tpu.memory_space<hbm>> -> memref<88xi32, #tpu.memory_space<hbm>>
      %dma_start3A_70 = arith.constant 0 : i32
      %dma_start3A_71 = tpu.memref_slice %arg11[%scan3A_62, %dma_start3A_70] : memref<114x88xi32, #tpu.memory_space<vmem>> -> memref<1x88xi32, #tpu.memory_space<vmem>>
      %dma_start3A_72 = tpu.memref_squeeze %dma_start3A_71 : memref<1x88xi32, #tpu.memory_space<vmem>> -> memref<88xi32, #tpu.memory_space<vmem>>
      %dma_start3A_73 = tpu.memref_slice %arg4[%add3A_65] : memref<321024xi32, #tpu.memory_space<hbm>> -> memref<88xi32, #tpu.memory_space<hbm>>
      tpu.enqueue_dma source(%dma_start3A_73 : memref<88xi32, #tpu.memory_space<hbm>>) target(%dma_start3A_72 : memref<88xi32, #tpu.memory_space<vmem>>) target_semaphore(%arg18 : memref<!tpu.dma_semaphore, #tpu.memory_space<semaphore_mem>>)
    }
    %scan3A_9 = arith.constant 114 : i32
    "tpu.region"() ({
      %run_scoped3A = tpu.sem_alloc : memref<!tpu.dma_semaphore, #tpu.memory_space<semaphore_mem>>
      %dma_start3A_62 = tpu.memref_slice %arg3[%mul3A_4] : memref<321024xi32, #tpu.memory_space<hbm>> -> memref<10032xi32, #tpu.memory_space<hbm>>
      %dma_start3A_63 = tpu.memref_slice %arg3[%mul3A_4] : memref<321024xi32, #tpu.memory_space<hbm>> -> memref<10032xi32, #tpu.memory_space<hbm>>
      tpu.enqueue_dma source(%dma_start3A_63 : memref<10032xi32, #tpu.memory_space<hbm>>) target(%arg10 : memref<10032xi32, #tpu.memory_space<vmem>>) target_semaphore(%run_scoped3A : memref<!tpu.dma_semaphore, #tpu.memory_space<semaphore_mem>>)
      %dma_wait3A_64 = tpu.memref_slice %arg3[%mul3A_4] : memref<321024xi32, #tpu.memory_space<hbm>> -> memref<10032xi32, #tpu.memory_space<hbm>>
      %dma_wait3A_65 = tpu.memref_slice %arg3[%mul3A_4] : memref<321024xi32, #tpu.memory_space<hbm>> -> memref<10032xi32, #tpu.memory_space<hbm>>
      tpu.wait_dma2 semaphore(%run_scoped3A : memref<!tpu.dma_semaphore, #tpu.memory_space<semaphore_mem>>) src(%dma_wait3A_65 : memref<10032xi32, #tpu.memory_space<hbm>>) dst(%arg10 : memref<10032xi32, #tpu.memory_space<vmem>>)
      tpu.yield
    }) : () -> ()
    "tpu.region"() ({
      %run_scoped3A = tpu.sem_alloc : memref<!tpu.dma_semaphore, #tpu.memory_space<semaphore_mem>>
      tpu.enqueue_dma source(%arg7 : memref<88xf32, #tpu.memory_space<hbm>>) target(%arg13 : memref<88xf32, #tpu.memory_space<vmem>>) target_semaphore(%run_scoped3A : memref<!tpu.dma_semaphore, #tpu.memory_space<semaphore_mem>>)
      tpu.wait_dma2 semaphore(%run_scoped3A : memref<!tpu.dma_semaphore, #tpu.memory_space<semaphore_mem>>) src(%arg7 : memref<88xf32, #tpu.memory_space<hbm>>) dst(%arg13 : memref<88xf32, #tpu.memory_space<vmem>>)
      tpu.yield
    }) : () -> ()
    %scan3A_10 = arith.constant 0 : i32
    %scan3A_11 = arith.constant 0 : i32
    %scan3A_12 = arith.constant 5 : i32
    %scan3A_13 = arith.addi %scan3A_11, %scan3A_12 : i32
    %scan3A_14 = arith.constant 1 : i32
    scf.for %scan3A_62 = %scan3A_11 to %scan3A_13 step %scan3A_14  : i32 {
      %mul3A_63 = arith.constant 128 : i32
      %mul3A_64 = arith.muli %scan3A_62, %mul3A_63 : i32
      %add3A_65 = arith.addi %mul3A_2, %mul3A_64 : i32
      "tpu.region"() ({
        %run_scoped3A = tpu.sem_alloc : memref<!tpu.dma_semaphore, #tpu.memory_space<semaphore_mem>>
        %dma_start3A_66 = arith.constant 0 : i32
        %dma_start3A_67 = tpu.memref_slice %arg14[%add3A_65, %dma_start3A_66] : memref<10240x128xf32, #tpu.memory_space<vmem_shared>> -> memref<128x128xf32, #tpu.memory_space<vmem_shared>>
        %dma_start3A_68 = arith.constant 0 : i32
        %dma_start3A_69 = tpu.memref_slice %arg5[%add3A_65, %dma_start3A_68] : memref<10240x128xf32, #tpu.memory_space<hbm>> -> memref<128x128xf32, #tpu.memory_space<hbm>>
        tpu.enqueue_dma source(%dma_start3A_69 : memref<128x128xf32, #tpu.memory_space<hbm>>) target(%dma_start3A_67 : memref<128x128xf32, #tpu.memory_space<vmem_shared>>) target_semaphore(%run_scoped3A : memref<!tpu.dma_semaphore, #tpu.memory_space<semaphore_mem>>)
        %dma_wait3A_70 = arith.constant 0 : i32
        %dma_wait3A_71 = tpu.memref_slice %arg14[%add3A_65, %dma_wait3A_70] : memref<10240x128xf32, #tpu.memory_space<vmem_shared>> -> memref<128x128xf32, #tpu.memory_space<vmem_shared>>
        %dma_wait3A_72 = arith.constant 0 : i32
        %dma_wait3A_73 = tpu.memref_slice %arg5[%add3A_65, %dma_wait3A_72] : memref<10240x128xf32, #tpu.memory_space<hbm>> -> memref<128x128xf32, #tpu.memory_space<hbm>>
        tpu.wait_dma2 semaphore(%run_scoped3A : memref<!tpu.dma_semaphore, #tpu.memory_space<semaphore_mem>>) src(%dma_wait3A_73 : memref<128x128xf32, #tpu.memory_space<hbm>>) dst(%dma_wait3A_71 : memref<128x128xf32, #tpu.memory_space<vmem_shared>>)
        tpu.yield
      }) : () -> ()
    }
    %scan3A_15 = arith.constant 5 : i32
    "tpu.region"() ({
      %run_scoped3A = tpu.sem_alloc : memref<!tpu.dma_semaphore, #tpu.memory_space<semaphore_mem>>
      %dma_start3A_62 = tpu.memref_slice %arg15[%mul3A_2] : memref<10240xf32, #tpu.memory_space<vmem_shared>> -> memref<640xf32, #tpu.memory_space<vmem_shared>>
      %dma_start3A_63 = tpu.memref_slice %arg6[%mul3A_2] : memref<10240xf32, #tpu.memory_space<hbm>> -> memref<640xf32, #tpu.memory_space<hbm>>
      tpu.enqueue_dma source(%dma_start3A_63 : memref<640xf32, #tpu.memory_space<hbm>>) target(%dma_start3A_62 : memref<640xf32, #tpu.memory_space<vmem_shared>>) target_semaphore(%run_scoped3A : memref<!tpu.dma_semaphore, #tpu.memory_space<semaphore_mem>>)
      %dma_wait3A_64 = tpu.memref_slice %arg15[%mul3A_2] : memref<10240xf32, #tpu.memory_space<vmem_shared>> -> memref<640xf32, #tpu.memory_space<vmem_shared>>
      %dma_wait3A_65 = tpu.memref_slice %arg6[%mul3A_2] : memref<10240xf32, #tpu.memory_space<hbm>> -> memref<640xf32, #tpu.memory_space<hbm>>
      tpu.wait_dma2 semaphore(%run_scoped3A : memref<!tpu.dma_semaphore, #tpu.memory_space<semaphore_mem>>) src(%dma_wait3A_65 : memref<640xf32, #tpu.memory_space<hbm>>) dst(%dma_wait3A_64 : memref<640xf32, #tpu.memory_space<vmem_shared>>)
      tpu.yield
    }) : () -> ()
    %scan3A_16 = arith.constant 0 : i32
    %scan3A_17 = arith.constant 0 : i32
    %scan3A_18 = arith.constant 114 : i32
    %scan3A_19 = arith.addi %scan3A_17, %scan3A_18 : i32
    %scan3A_20 = arith.constant 1 : i32
    scf.for %scan3A_62 = %scan3A_17 to %scan3A_19 step %scan3A_20  : i32 {
      %mul3A_63 = arith.constant 88 : i32
      %mul3A_64 = arith.muli %scan3A_62, %mul3A_63 : i32
      %add3A_65 = arith.addi %mul3A_4, %mul3A_64 : i32
      %dma_wait3A_66 = arith.constant 0 : i32
      %dma_wait3A_67 = tpu.memref_slice %arg11[%scan3A_62, %dma_wait3A_66] : memref<114x88xi32, #tpu.memory_space<vmem>> -> memref<1x88xi32, #tpu.memory_space<vmem>>
      %dma_wait3A_68 = tpu.memref_squeeze %dma_wait3A_67 : memref<1x88xi32, #tpu.memory_space<vmem>> -> memref<88xi32, #tpu.memory_space<vmem>>
      %dma_wait3A_69 = tpu.memref_slice %arg4[%add3A_65] : memref<321024xi32, #tpu.memory_space<hbm>> -> memref<88xi32, #tpu.memory_space<hbm>>
      %dma_wait3A_70 = arith.constant 0 : i32
      %dma_wait3A_71 = tpu.memref_slice %arg11[%scan3A_62, %dma_wait3A_70] : memref<114x88xi32, #tpu.memory_space<vmem>> -> memref<1x88xi32, #tpu.memory_space<vmem>>
      %dma_wait3A_72 = tpu.memref_squeeze %dma_wait3A_71 : memref<1x88xi32, #tpu.memory_space<vmem>> -> memref<88xi32, #tpu.memory_space<vmem>>
      %dma_wait3A_73 = tpu.memref_slice %arg4[%add3A_65] : memref<321024xi32, #tpu.memory_space<hbm>> -> memref<88xi32, #tpu.memory_space<hbm>>
      tpu.wait_dma2 semaphore(%arg18 : memref<!tpu.dma_semaphore, #tpu.memory_space<semaphore_mem>>) src(%dma_wait3A_73 : memref<88xi32, #tpu.memory_space<hbm>>) dst(%dma_wait3A_72 : memref<88xi32, #tpu.memory_space<vmem>>)
    }
    %scan3A_21 = arith.constant 114 : i32
    %dma_start3A = arith.constant 0 : i32
    %dma_start3A_22 = arith.constant 0 : i32
    %dma_start3A_23 = arith.constant 0 : i32
    %dma_start3A_24 = tpu.memref_slice %arg12[%dma_start3A, %dma_start3A_22, %dma_start3A_23] : memref<2x88x128xf32, #tpu.memory_space<vmem>> -> memref<1x88x128xf32, #tpu.memory_space<vmem>>
    %dma_start3A_25 = tpu.memref_squeeze %dma_start3A_24 : memref<1x88x128xf32, #tpu.memory_space<vmem>> -> memref<88x128xf32, #tpu.memory_space<vmem>>
    %dma_start3A_26 = arith.constant 0 : i32
    %dma_start3A_27 = tpu.memref_slice %arg10[%dma_start3A_26] : memref<10032xi32, #tpu.memory_space<vmem>> -> memref<88xi32, #tpu.memory_space<vmem>>
    %dma_start3A_28 = arith.constant 0 : i32
    %dma_start3A_29 = arith.constant 0 : i32
    %dma_start3A_30 = tpu.memref_slice %arg2[%dma_start3A_28, %dma_start3A_29] : memref<10000x128xf32, #tpu.memory_space<hbm>> -> memref<10000x128xf32, #tpu.memory_space<hbm>>
    tpu.enqueue_indirect_dma source(%dma_start3A_30 : memref<10000x128xf32, #tpu.memory_space<hbm>>) target(%dma_start3A_25 : memref<88x128xf32, #tpu.memory_space<vmem>>) offsets(%dma_start3A_27 : memref<88xi32, #tpu.memory_space<vmem>>) semaphore(%arg16 : memref<!tpu.dma_semaphore, #tpu.memory_space<semaphore_mem>>)
    %barrier3A = arith.constant 0 : index
    tpu.barrier barrier_id(%barrier3A)
    %scan3A_31 = arith.constant 0 : i32
    %scan3A_32 = arith.constant 0 : i32
    %scan3A_33 = arith.constant 114 : i32
    %scan3A_34 = arith.addi %scan3A_32, %scan3A_33 : i32
    %scan3A_35 = arith.constant 1 : i32
    scf.for %scan3A_62 = %scan3A_32 to %scan3A_34 step %scan3A_35  : i32 {
      %rem3A_63 = arith.constant 2 : i32
      %rem3A_64 = arith.remsi %scan3A_62, %rem3A_63 : i32
      %mul3A_65 = arith.constant 88 : i32
      %mul3A_66 = arith.muli %scan3A_62, %mul3A_65 : i32
      %dma_wait3A_67 = arith.constant 0 : i32
      %dma_wait3A_68 = arith.constant 0 : i32
      %dma_wait3A_69 = tpu.memref_slice %arg12[%rem3A_64, %dma_wait3A_67, %dma_wait3A_68] : memref<2x88x128xf32, #tpu.memory_space<vmem>> -> memref<1x88x128xf32, #tpu.memory_space<vmem>>
      %dma_wait3A_70 = tpu.memref_squeeze %dma_wait3A_69 : memref<1x88x128xf32, #tpu.memory_space<vmem>> -> memref<88x128xf32, #tpu.memory_space<vmem>>
      %dma_wait3A_71 = tpu.memref_slice %arg10[%mul3A_66] : memref<10032xi32, #tpu.memory_space<vmem>> -> memref<88xi32, #tpu.memory_space<vmem>>
      %dma_wait3A_72 = arith.constant 0 : i32
      %dma_wait3A_73 = arith.constant 0 : i32
      %dma_wait3A_74 = tpu.memref_slice %arg2[%dma_wait3A_72, %dma_wait3A_73] : memref<10000x128xf32, #tpu.memory_space<hbm>> -> memref<10000x128xf32, #tpu.memory_space<hbm>>
      tpu.wait_indirect_dma semaphore(%arg16 : memref<!tpu.dma_semaphore, #tpu.memory_space<semaphore_mem>>) src(%dma_wait3A_74 : memref<10000x128xf32, #tpu.memory_space<hbm>>) dst(%dma_wait3A_70 : memref<88x128xf32, #tpu.memory_space<vmem>>)
      %gt3A = arith.constant 0 : i32
      %gt3A_75 = arith.cmpi sgt, %scan3A_62, %gt3A : i32
      %convert_element_type3A = arith.extui %gt3A_75 : i1 to i32
      %cond3A = arith.constant 0 : i32
      %cond3A_76 = arith.cmpi ne, %convert_element_type3A, %cond3A : i32
      scf.if %cond3A_76 {
        %sub3A = arith.constant 1 : i32
        %sub3A_98 = arith.subi %scan3A_62, %sub3A : i32
        %rem3A_99 = arith.constant 2 : i32
        %rem3A_100 = arith.remsi %sub3A_98, %rem3A_99 : i32
        %dma_wait3A_101 = arith.constant 0 : i32
        %dma_wait3A_102 = arith.constant 0 : i32
        %dma_wait3A_103 = tpu.memref_slice %arg12[%rem3A_100, %dma_wait3A_101, %dma_wait3A_102] : memref<2x88x128xf32, #tpu.memory_space<vmem>> -> memref<1x88x128xf32, #tpu.memory_space<vmem>>
        %dma_wait3A_104 = tpu.memref_squeeze %dma_wait3A_103 : memref<1x88x128xf32, #tpu.memory_space<vmem>> -> memref<88x128xf32, #tpu.memory_space<vmem>>
        %dma_wait3A_105 = arith.constant 0 : i32
        %dma_wait3A_106 = tpu.memref_slice %arg11[%sub3A_98, %dma_wait3A_105] : memref<114x88xi32, #tpu.memory_space<vmem>> -> memref<1x88xi32, #tpu.memory_space<vmem>>
        %dma_wait3A_107 = tpu.memref_squeeze %dma_wait3A_106 : memref<1x88xi32, #tpu.memory_space<vmem>> -> memref<88xi32, #tpu.memory_space<vmem>>
        %dma_wait3A_108 = arith.constant 0 : i32
        %dma_wait3A_109 = arith.constant 0 : i32
        %dma_wait3A_110 = tpu.memref_slice %arg14[%dma_wait3A_108, %dma_wait3A_109] : memref<10240x128xf32, #tpu.memory_space<vmem_shared>> -> memref<10240x128xf32, #tpu.memory_space<vmem_shared>>
        tpu.wait_indirect_dma semaphore(%arg17 : memref<!tpu.dma_semaphore, #tpu.memory_space<semaphore_mem>>) src(%dma_wait3A_104 : memref<88x128xf32, #tpu.memory_space<vmem>>) dst(%dma_wait3A_110 : memref<10240x128xf32, #tpu.memory_space<vmem_shared>>)
        %dma_wait3A_111 = arith.constant 0 : i32
        %dma_wait3A_112 = tpu.memref_slice %arg11[%sub3A_98, %dma_wait3A_111] : memref<114x88xi32, #tpu.memory_space<vmem>> -> memref<1x88xi32, #tpu.memory_space<vmem>>
        %dma_wait3A_113 = tpu.memref_squeeze %dma_wait3A_112 : memref<1x88xi32, #tpu.memory_space<vmem>> -> memref<88xi32, #tpu.memory_space<vmem>>
        %dma_wait3A_114 = arith.constant 0 : i32
        %dma_wait3A_115 = tpu.memref_slice %arg15[%dma_wait3A_114] : memref<10240xf32, #tpu.memory_space<vmem_shared>> -> memref<10240xf32, #tpu.memory_space<vmem_shared>>
        tpu.wait_indirect_dma semaphore(%arg17 : memref<!tpu.dma_semaphore, #tpu.memory_space<semaphore_mem>>) src(%arg13 : memref<88xf32, #tpu.memory_space<vmem>>) dst(%dma_wait3A_115 : memref<10240xf32, #tpu.memory_space<vmem_shared>>)
      } else {
      }
      %dma_start3A_77 = arith.constant 0 : i32
      %dma_start3A_78 = arith.constant 0 : i32
      %dma_start3A_79 = tpu.memref_slice %arg12[%rem3A_64, %dma_start3A_77, %dma_start3A_78] : memref<2x88x128xf32, #tpu.memory_space<vmem>> -> memref<1x88x128xf32, #tpu.memory_space<vmem>>
      %dma_start3A_80 = tpu.memref_squeeze %dma_start3A_79 : memref<1x88x128xf32, #tpu.memory_space<vmem>> -> memref<88x128xf32, #tpu.memory_space<vmem>>
      %dma_start3A_81 = arith.constant 0 : i32
      %dma_start3A_82 = tpu.memref_slice %arg11[%scan3A_62, %dma_start3A_81] : memref<114x88xi32, #tpu.memory_space<vmem>> -> memref<1x88xi32, #tpu.memory_space<vmem>>
      %dma_start3A_83 = tpu.memref_squeeze %dma_start3A_82 : memref<1x88xi32, #tpu.memory_space<vmem>> -> memref<88xi32, #tpu.memory_space<vmem>>
      %dma_start3A_84 = arith.constant 0 : i32
      %dma_start3A_85 = arith.constant 0 : i32
      %dma_start3A_86 = tpu.memref_slice %arg14[%dma_start3A_84, %dma_start3A_85] : memref<10240x128xf32, #tpu.memory_space<vmem_shared>> -> memref<10240x128xf32, #tpu.memory_space<vmem_shared>>
      tpu.enqueue_indirect_dma source(%dma_start3A_80 : memref<88x128xf32, #tpu.memory_space<vmem>>) target(%dma_start3A_86 : memref<10240x128xf32, #tpu.memory_space<vmem_shared>>) offsets(%dma_start3A_83 : memref<88xi32, #tpu.memory_space<vmem>>) semaphore(%arg17 : memref<!tpu.dma_semaphore, #tpu.memory_space<semaphore_mem>>) {add = true}
      %dma_start3A_87 = arith.constant 0 : i32
      %dma_start3A_88 = tpu.memref_slice %arg11[%scan3A_62, %dma_start3A_87] : memref<114x88xi32, #tpu.memory_space<vmem>> -> memref<1x88xi32, #tpu.memory_space<vmem>>
      %dma_start3A_89 = tpu.memref_squeeze %dma_start3A_88 : memref<1x88xi32, #tpu.memory_space<vmem>> -> memref<88xi32, #tpu.memory_space<vmem>>
      %dma_start3A_90 = arith.constant 0 : i32
      %dma_start3A_91 = tpu.memref_slice %arg15[%dma_start3A_90] : memref<10240xf32, #tpu.memory_space<vmem_shared>> -> memref<10240xf32, #tpu.memory_space<vmem_shared>>
      tpu.enqueue_indirect_dma source(%arg13 : memref<88xf32, #tpu.memory_space<vmem>>) target(%dma_start3A_91 : memref<10240xf32, #tpu.memory_space<vmem_shared>>) offsets(%dma_start3A_89 : memref<88xi32, #tpu.memory_space<vmem>>) semaphore(%arg17 : memref<!tpu.dma_semaphore, #tpu.memory_space<semaphore_mem>>) {add = true}
      %add3A_92 = arith.constant 1 : i32
      %add3A_93 = arith.addi %scan3A_62, %add3A_92 : i32
      %lt3A = arith.constant 114 : i32
      %lt3A_94 = arith.cmpi slt, %add3A_93, %lt3A : i32
      %convert_element_type3A_95 = arith.extui %lt3A_94 : i1 to i32
      %cond3A_96 = arith.constant 0 : i32
      %cond3A_97 = arith.cmpi ne, %convert_element_type3A_95, %cond3A_96 : i32
      scf.if %cond3A_97 {
        %add3A_98 = arith.constant 1 : i32
        %add3A_99 = arith.addi %scan3A_62, %add3A_98 : i32
        %mul3A_100 = arith.constant 88 : i32
        %mul3A_101 = arith.muli %add3A_99, %mul3A_100 : i32
        %rem3A_102 = arith.constant 2 : i32
        %rem3A_103 = arith.remsi %add3A_99, %rem3A_102 : i32
        %dma_start3A_104 = arith.constant 0 : i32
        %dma_start3A_105 = arith.constant 0 : i32
        %dma_start3A_106 = tpu.memref_slice %arg12[%rem3A_103, %dma_start3A_104, %dma_start3A_105] : memref<2x88x128xf32, #tpu.memory_space<vmem>> -> memref<1x88x128xf32, #tpu.memory_space<vmem>>
        %dma_start3A_107 = tpu.memref_squeeze %dma_start3A_106 : memref<1x88x128xf32, #tpu.memory_space<vmem>> -> memref<88x128xf32, #tpu.memory_space<vmem>>
        %dma_start3A_108 = tpu.memref_slice %arg10[%mul3A_101] : memref<10032xi32, #tpu.memory_space<vmem>> -> memref<88xi32, #tpu.memory_space<vmem>>
        %dma_start3A_109 = arith.constant 0 : i32
        %dma_start3A_110 = arith.constant 0 : i32
        %dma_start3A_111 = tpu.memref_slice %arg2[%dma_start3A_109, %dma_start3A_110] : memref<10000x128xf32, #tpu.memory_space<hbm>> -> memref<10000x128xf32, #tpu.memory_space<hbm>>
        tpu.enqueue_indirect_dma source(%dma_start3A_111 : memref<10000x128xf32, #tpu.memory_space<hbm>>) target(%dma_start3A_107 : memref<88x128xf32, #tpu.memory_space<vmem>>) offsets(%dma_start3A_108 : memref<88xi32, #tpu.memory_space<vmem>>) semaphore(%arg16 : memref<!tpu.dma_semaphore, #tpu.memory_space<semaphore_mem>>)
      } else {
      }
    }
    %scan3A_36 = arith.constant 114 : i32
    %rem3A = arith.constant 113 : i32
    %rem3A_37 = arith.constant 2 : i32
    %rem3A_38 = arith.remsi %rem3A, %rem3A_37 : i32
    %dma_wait3A = arith.constant 113 : i32
    %dma_wait3A_39 = arith.constant 0 : i32
    %dma_wait3A_40 = arith.constant 0 : i32
    %dma_wait3A_41 = tpu.memref_slice %arg12[%rem3A_38, %dma_wait3A_39, %dma_wait3A_40] : memref<2x88x128xf32, #tpu.memory_space<vmem>> -> memref<1x88x128xf32, #tpu.memory_space<vmem>>
    %dma_wait3A_42 = tpu.memref_squeeze %dma_wait3A_41 : memref<1x88x128xf32, #tpu.memory_space<vmem>> -> memref<88x128xf32, #tpu.memory_space<vmem>>
    %dma_wait3A_43 = arith.constant 0 : i32
    %dma_wait3A_44 = tpu.memref_slice %arg11[%dma_wait3A, %dma_wait3A_43] : memref<114x88xi32, #tpu.memory_space<vmem>> -> memref<1x88xi32, #tpu.memory_space<vmem>>
    %dma_wait3A_45 = tpu.memref_squeeze %dma_wait3A_44 : memref<1x88xi32, #tpu.memory_space<vmem>> -> memref<88xi32, #tpu.memory_space<vmem>>
    %dma_wait3A_46 = arith.constant 0 : i32
    %dma_wait3A_47 = arith.constant 0 : i32
    %dma_wait3A_48 = tpu.memref_slice %arg14[%dma_wait3A_46, %dma_wait3A_47] : memref<10240x128xf32, #tpu.memory_space<vmem_shared>> -> memref<10240x128xf32, #tpu.memory_space<vmem_shared>>
    tpu.wait_indirect_dma semaphore(%arg17 : memref<!tpu.dma_semaphore, #tpu.memory_space<semaphore_mem>>) src(%dma_wait3A_42 : memref<88x128xf32, #tpu.memory_space<vmem>>) dst(%dma_wait3A_48 : memref<10240x128xf32, #tpu.memory_space<vmem_shared>>)
    %dma_wait3A_49 = arith.constant 113 : i32
    %dma_wait3A_50 = arith.constant 0 : i32
    %dma_wait3A_51 = tpu.memref_slice %arg11[%dma_wait3A_49, %dma_wait3A_50] : memref<114x88xi32, #tpu.memory_space<vmem>> -> memref<1x88xi32, #tpu.memory_space<vmem>>
    %dma_wait3A_52 = tpu.memref_squeeze %dma_wait3A_51 : memref<1x88xi32, #tpu.memory_space<vmem>> -> memref<88xi32, #tpu.memory_space<vmem>>
    %dma_wait3A_53 = arith.constant 0 : i32
    %dma_wait3A_54 = tpu.memref_slice %arg15[%dma_wait3A_53] : memref<10240xf32, #tpu.memory_space<vmem_shared>> -> memref<10240xf32, #tpu.memory_space<vmem_shared>>
    tpu.wait_indirect_dma semaphore(%arg17 : memref<!tpu.dma_semaphore, #tpu.memory_space<semaphore_mem>>) src(%arg13 : memref<88xf32, #tpu.memory_space<vmem>>) dst(%dma_wait3A_54 : memref<10240xf32, #tpu.memory_space<vmem_shared>>)
    %barrier3A_55 = arith.constant 0 : index
    tpu.barrier barrier_id(%barrier3A_55)
    %scan3A_56 = arith.constant 0 : i32
    %scan3A_57 = arith.constant 0 : i32
    %scan3A_58 = arith.constant 5 : i32
    %scan3A_59 = arith.addi %scan3A_57, %scan3A_58 : i32
    %scan3A_60 = arith.constant 1 : i32
    scf.for %scan3A_62 = %scan3A_57 to %scan3A_59 step %scan3A_60  : i32 {
      %mul3A_63 = arith.constant 128 : i32
      %mul3A_64 = arith.muli %scan3A_62, %mul3A_63 : i32
      %add3A_65 = arith.addi %mul3A_2, %mul3A_64 : i32
      "tpu.region"() ({
        %run_scoped3A = tpu.sem_alloc : memref<!tpu.dma_semaphore, #tpu.memory_space<semaphore_mem>>
        %dma_start3A_66 = arith.constant 0 : i32
        %dma_start3A_67 = tpu.memref_slice %arg8[%arg0, %add3A_65, %dma_start3A_66] : memref<2x10240x128xf32, #tpu.memory_space<hbm>> -> memref<1x128x128xf32, #tpu.memory_space<hbm>>
        %dma_start3A_68 = tpu.memref_squeeze %dma_start3A_67 : memref<1x128x128xf32, #tpu.memory_space<hbm>> -> memref<128x128xf32, #tpu.memory_space<hbm>>
        %dma_start3A_69 = arith.constant 0 : i32
        %dma_start3A_70 = tpu.memref_slice %arg14[%add3A_65, %dma_start3A_69] : memref<10240x128xf32, #tpu.memory_space<vmem_shared>> -> memref<128x128xf32, #tpu.memory_space<vmem_shared>>
        tpu.enqueue_dma source(%dma_start3A_70 : memref<128x128xf32, #tpu.memory_space<vmem_shared>>) target(%dma_start3A_68 : memref<128x128xf32, #tpu.memory_space<hbm>>) target_semaphore(%run_scoped3A : memref<!tpu.dma_semaphore, #tpu.memory_space<semaphore_mem>>)
        %dma_wait3A_71 = arith.constant 0 : i32
        %dma_wait3A_72 = tpu.memref_slice %arg8[%arg0, %add3A_65, %dma_wait3A_71] : memref<2x10240x128xf32, #tpu.memory_space<hbm>> -> memref<1x128x128xf32, #tpu.memory_space<hbm>>
        %dma_wait3A_73 = tpu.memref_squeeze %dma_wait3A_72 : memref<1x128x128xf32, #tpu.memory_space<hbm>> -> memref<128x128xf32, #tpu.memory_space<hbm>>
        %dma_wait3A_74 = arith.constant 0 : i32
        %dma_wait3A_75 = tpu.memref_slice %arg14[%add3A_65, %dma_wait3A_74] : memref<10240x128xf32, #tpu.memory_space<vmem_shared>> -> memref<128x128xf32, #tpu.memory_space<vmem_shared>>
        tpu.wait_dma2 semaphore(%run_scoped3A : memref<!tpu.dma_semaphore, #tpu.memory_space<semaphore_mem>>) src(%dma_wait3A_75 : memref<128x128xf32, #tpu.memory_space<vmem_shared>>) dst(%dma_wait3A_73 : memref<128x128xf32, #tpu.memory_space<hbm>>)
        tpu.yield
      }) : () -> ()
    }
    %scan3A_61 = arith.constant 5 : i32
    "tpu.region"() ({
      %run_scoped3A = tpu.sem_alloc : memref<!tpu.dma_semaphore, #tpu.memory_space<semaphore_mem>>
      %dma_start3A_62 = tpu.memref_slice %arg9[%arg0, %mul3A_2] : memref<2x10240xf32, #tpu.memory_space<hbm>> -> memref<1x640xf32, #tpu.memory_space<hbm>>
      %dma_start3A_63 = tpu.memref_squeeze %dma_start3A_62 : memref<1x640xf32, #tpu.memory_space<hbm>> -> memref<640xf32, #tpu.memory_space<hbm>>
      %dma_start3A_64 = tpu.memref_slice %arg15[%mul3A_2] : memref<10240xf32, #tpu.memory_space<vmem_shared>> -> memref<640xf32, #tpu.memory_space<vmem_shared>>
      tpu.enqueue_dma source(%dma_start3A_64 : memref<640xf32, #tpu.memory_space<vmem_shared>>) target(%dma_start3A_63 : memref<640xf32, #tpu.memory_space<hbm>>) target_semaphore(%run_scoped3A : memref<!tpu.dma_semaphore, #tpu.memory_space<semaphore_mem>>)
      %dma_wait3A_65 = tpu.memref_slice %arg9[%arg0, %mul3A_2] : memref<2x10240xf32, #tpu.memory_space<hbm>> -> memref<1x640xf32, #tpu.memory_space<hbm>>
      %dma_wait3A_66 = tpu.memref_squeeze %dma_wait3A_65 : memref<1x640xf32, #tpu.memory_space<hbm>> -> memref<640xf32, #tpu.memory_space<hbm>>
      %dma_wait3A_67 = tpu.memref_slice %arg15[%mul3A_2] : memref<10240xf32, #tpu.memory_space<vmem_shared>> -> memref<640xf32, #tpu.memory_space<vmem_shared>>
      tpu.wait_dma2 semaphore(%run_scoped3A : memref<!tpu.dma_semaphore, #tpu.memory_space<semaphore_mem>>) src(%dma_wait3A_67 : memref<640xf32, #tpu.memory_space<vmem_shared>>) dst(%dma_wait3A_66 : memref<640xf32, #tpu.memory_space<hbm>>)
      tpu.yield
    }) : () -> ()
    return
  }
}

module attributes {stable_mosaic.version = 14 : i64} {
  func.func @body(%arg0: i32, %arg1: memref<2x1000x128xf32, #tpu.memory_space<vmem>>, %arg2: memref<1000x2xf32, #tpu.memory_space<vmem>>, %arg3: memref<1000x128xf32, #tpu.memory_space<vmem>>, %arg4: memref<128x128xf32, #tpu.memory_space<vmem>>, %arg5: memref<1x128xf32, #tpu.memory_space<vmem>>, %arg6: memref<1000x128xf32, #tpu.memory_space<vmem>>) attributes {dimension_semantics = [#tpu.dimension_semantics<arbitrary>], iteration_bounds = array<i64: 10>, scalar_prefetch = 0 : i64, scratch_operands = 0 : i64, tpu.core_type = #tpu.core_type<tc>, window_params = [{transform_indices = @transform_0, window_bounds = array<i64: 2, 1000, 128>}, {transform_indices = @transform_1, window_bounds = array<i64: 1000, 2>}, {transform_indices = @transform_2, window_bounds = array<i64: 1000, 128>}, {pipeline_mode = #tpu.pipeline_mode<synchronous>, transform_indices = @transform_3, window_bounds = array<i64: 128, 128>}, {pipeline_mode = #tpu.pipeline_mode<synchronous>, transform_indices = @transform_4, window_bounds = array<i64: 1, 128>}, {transform_indices = @transform_5, window_bounds = array<i64: 1000, 128>}]} {
    %get3A = arith.constant 0 : index
    %get3A_0 = arith.constant 0 : index
    %get3A_1 = arith.constant 0 : index
    %get3A_2 = vector.load %arg1[%get3A, %get3A_0, %get3A_1] : memref<2x1000x128xf32, #tpu.memory_space<vmem>>, vector<1x1000x128xf32>
    %get3A_3 = vector.shape_cast %get3A_2 : vector<1x1000x128xf32> to vector<1000x128xf32>
    %get3A_4 = arith.constant 1 : index
    %get3A_5 = arith.constant 0 : index
    %get3A_6 = arith.constant 0 : index
    %get3A_7 = vector.load %arg1[%get3A_4, %get3A_5, %get3A_6] : memref<2x1000x128xf32, #tpu.memory_space<vmem>>, vector<1x1000x128xf32>
    %get3A_8 = vector.shape_cast %get3A_7 : vector<1x1000x128xf32> to vector<1000x128xf32>
    %add3A = arith.addf %get3A_3, %get3A_8 : vector<1000x128xf32>
    %get3A_9 = arith.constant 0 : index
    %get3A_10 = arith.constant 0 : index
    %get3A_11 = vector.load %arg2[%get3A_9, %get3A_10] : memref<1000x2xf32, #tpu.memory_space<vmem>>, vector<1000x1xf32>
    %get3A_12 = arith.constant 0 : index
    %get3A_13 = arith.constant 1 : index
    %get3A_14 = vector.load %arg2[%get3A_12, %get3A_13] : memref<1000x2xf32, #tpu.memory_space<vmem>>, vector<1000x1xf32>
    %add3A_15 = arith.addf %get3A_11, %get3A_14 : vector<1000x1xf32>
    %max3A = arith.constant 1.000000e+00 : f32
    %max3A_16 = vector.broadcast %max3A : f32 to vector<1000x1xf32>
    %max3A_17 = arith.maximumf %add3A_15, %max3A_16 : vector<1000x1xf32>
    %div3A = vector.broadcast %max3A_17 : vector<1000x1xf32> to vector<1000x128xf32>
    %div3A_18 = arith.divf %add3A, %div3A : vector<1000x128xf32>
    %gt3A = arith.constant 0.000000e+00 : f32
    %gt3A_19 = vector.broadcast %gt3A : f32 to vector<1000x1xf32>
    %gt3A_20 = arith.cmpf ogt, %add3A_15, %gt3A_19 : vector<1000x1xf32>
    %get3A_21 = arith.constant 0 : index
    %get3A_22 = arith.constant 0 : index
    %get3A_23 = vector.load %arg3[%get3A_21, %get3A_22] : memref<1000x128xf32, #tpu.memory_space<vmem>>, vector<1000x128xf32>
    %broadcast_in_dim3A = vector.shape_cast %gt3A_20 : vector<1000x1xi1> to vector<1000x1xi1>
    %broadcast_in_dim3A_24 = vector.broadcast %broadcast_in_dim3A : vector<1000x1xi1> to vector<1000x128xi1>
    %select_n3A = arith.select %broadcast_in_dim3A_24, %div3A_18, %get3A_23 : vector<1000x128xi1>, vector<1000x128xf32>
    %get3A_25 = arith.constant 0 : index
    %get3A_26 = arith.constant 0 : index
    %get3A_27 = vector.load %arg4[%get3A_25, %get3A_26] : memref<128x128xf32, #tpu.memory_space<vmem>>, vector<128x128xf32>
    %dot_general3A = arith.constant dense<0.000000e+00> : vector<1000x128xf32>
    %dot_general3A_28 = tpu.matmul %select_n3A, %get3A_27, %dot_general3A {dimension_numbers = #tpu.dot_dimension_numbers<[1], [1], [0], [0], [0, 0, 1, 0], [], []>, transpose_lhs_hint = false} : vector<1000x128xf32>, vector<128x128xf32>, vector<1000x128xf32> -> vector<1000x128xf32>
    %get3A_29 = arith.constant 0 : index
    %get3A_30 = arith.constant 0 : index
    %get3A_31 = vector.load %arg5[%get3A_29, %get3A_30] : memref<1x128xf32, #tpu.memory_space<vmem>>, vector<1x128xf32>
    %add3A_32 = vector.broadcast %get3A_31 : vector<1x128xf32> to vector<1000x128xf32>
    %add3A_33 = arith.addf %dot_general3A_28, %add3A_32 : vector<1000x128xf32>
    %max3A_34 = arith.constant 0.000000e+00 : f32
    %max3A_35 = vector.broadcast %max3A_34 : f32 to vector<1000x128xf32>
    %max3A_36 = arith.maximumf %add3A_33, %max3A_35 : vector<1000x128xf32>
    %swap3A = arith.constant 0 : index
    %swap3A_37 = arith.constant 0 : index
    %swap3A_38 = vector.load %arg6[%swap3A, %swap3A_37] : memref<1000x128xf32, #tpu.memory_space<vmem>>, vector<1000x128xf32>
    tpu.vector_store %arg6[%swap3A, %swap3A_37], %max3A_36 {strides = array<i32>} : memref<1000x128xf32, #tpu.memory_space<vmem>>, vector<1000x128xf32>,
    return
  }
  func.func @transform_0(%arg0: i32) -> (i32, i32, i32) {
    %c0_i32 = arith.constant 0 : i32
    %c0_i32_0 = arith.constant 0 : i32
    %c0_i32_1 = arith.constant 0 : i32
    return %c0_i32, %arg0, %c0_i32_0 : i32, i32, i32
  }
  func.func @transform_1(%arg0: i32) -> (i32, i32) {
    %c0_i32 = arith.constant 0 : i32
    %c0_i32_0 = arith.constant 0 : i32
    return %arg0, %c0_i32 : i32, i32
  }
  func.func @transform_2(%arg0: i32) -> (i32, i32) {
    %c0_i32 = arith.constant 0 : i32
    %c0_i32_0 = arith.constant 0 : i32
    return %arg0, %c0_i32 : i32, i32
  }
  func.func @transform_3(%arg0: i32) -> (i32, i32) {
    %c0_i32 = arith.constant 0 : i32
    %c0_i32_0 = arith.constant 0 : i32
    %c0_i32_1 = arith.constant 0 : i32
    return %c0_i32, %c0_i32_0 : i32, i32
  }
  func.func @transform_4(%arg0: i32) -> (i32, i32) {
    %c0_i32 = arith.constant 0 : i32
    %c0_i32_0 = arith.constant 0 : i32
    %c0_i32_1 = arith.constant 0 : i32
    return %c0_i32, %c0_i32_0 : i32, i32
  }
  func.func @transform_5(%arg0: i32) -> (i32, i32) {
    %c0_i32 = arith.constant 0 : i32
    %c0_i32_0 = arith.constant 0 : i32
    return %arg0, %c0_i32 : i32, i32
  }
}

</mosaic_0001>

<sc_bundles>
// kernel: kernel.4.cloned.1.call-start
scs
__scs_entry_jumppad:
0x0: {  	(pc) =	sbr.rel $0x88, $3  }
0x1: {  	(tag) =	ssettag $0x0;
	lr =	simm.s32 $0x1  }
0x2: {  	[smem:$0x3F9D] =	sst lr;
	_ =	strace $0xD0000000  }
0x3: {  	_ = 	snop  }
0x4: {  	_ = 	snop  }
0x5: {  	_ = 	snop  }
0x6: {  	_ = 	snop  }
0x7: {  	_ = 	snop  }
__scs_overlays_trampoline_lowered:
0x8: {  	[smem:$0x3FAC] =	sst s0  }
0x9: {  	[smem:$0x3FAD] =	sst s1  }
0xa: {  	[smem:$0x3FAE] =	sst s2  }
0xb: {  	[smem:$0x3FAF] =	sst s3  }
0xc: {  	[smem:$0x3FB0] =	sst s4  }
0xd: {  	[smem:$0x3FB1] =	sst s5  }
0xe: {  	[smem:$0x3FB2] =	sst s6  }
0xf: {  	[smem:$0x3FB3] =	sst s7  }
0x10: {  	[smem:$0x3FB4] =	sst s8  }
0x11: {  	[smem:$0x3FB5] =	sst s9;
	s0 =	simm.s32 @!p0 $0x0  }
0x12: {  	s1 =	sld [smem:$0x3F9B];
	s0 =	simm.s32 @p0 $0x1  }
0x13: {  	[smem:$0x3FB6] =	sst s0;
	s0 =	simm.s32 @!p1 $0x0  }
0x14: {  	s2 =	sld [smem:$0x3F9A];
	s0 =	simm.s32 @p1 $0x1  }
0x15: {  	[smem:$0x3FB7] =	sst s0;
	s0 =	simm.s32 @!p2 $0x0  }
0x16: {  	s3 =	sld [smem:$0x3FDB];
	s0 =	simm.s32 @p2 $0x1  }
0x17: {  	s4 =	simm.s32 $0x1BF5;
	[smem:$0x3FB9] =	sst s0  }
0x18: {  	s0 =	sld [smem:$0x3F9C];
	_ =	swait.ge [sflag:s4], $0x0  }
0x19: {  	s7 =	sld [smem:$0x3F9D]  }
0x1a: {  	s8 =	sadd.s32 $0xFFFFE003, lr  }
0x1b: {  	s9 =	sadd.s32 $0xFFFFFEF7, lr;
	s5 =	simm.s32 $0xFFFFFFFF;
	p2 =	slt.u32 s8, $0xFFFFF086  }
0x1c: {  	p1 =	slt.u32 s9, $0xF7A;
	s5 =	simm.s32 @!p2 $0x0  }
0x1d: {  	s5 =	simm.s32 @p1 $0x1;
	p0 =	seq.s32 s7, s2  }
0x1e: {  	s7 =	smul.u32 @!p0 $0xF7A, s2;
	p2 =	seq.s32 @!p0 s5, $0x0  }
0x1f: {  	s9 =	smul.u32 $0xF7A, s1;
	s8 =	simm.s32 @!p0 $0x1BF5;
	p2 =	por !p2, p0  }
0x20: {  	[sflag:s8] =	ssyncset.s32 @!p0 $0xFFFFF086;
	s6 =	sadd.s32 @!p0 s3, s7;
	s7 =	simm.s32 @!p0 $0x108  }
0x21: {  	s3 =	sadd.s32 s3, s9;
	s6 =	sadd.s32 @!p0 $0x88, s6;
	s7 =	simm.s32 @p2 $0x1082  }
0x22: {  	[simem:s7], [sflag:s8] =	dma.local @!p0 [hbm:s6], $0xF7A  }
0x23: {  	s9 =	sor.u32 $0xD0000000, s2;
	s6 =	simm.s32 $0x108;
	_ =	swait.ge @!p0 [sflag:s8], $0x0  }
0x24: {  	s3 =	sadd.s32 $0x88, s3;
	s6 =	simm.s32 @!p1 $0x1082;
	[sflag:s4] =	ssyncset.s32 $0xFFFFF086  }
0x25: {  	[simem:s6], [sflag:s4] =	dma.local [hbm:s3], $0xF7A  }
0x26: {  	[smem:$0x3F9D] =	sst s1;
	(tag) =	ssettag s2;
	_ =	strace s9  }
0x27: {  	s1 =	sld [smem:$0x3FAD]  }
0x28: {  	s2 =	sld [smem:$0x3FAE]  }
0x29: {  	s4 =	sld [smem:$0x3FB0]  }
0x2a: {  	p0 =	seq.s32 s5, $0x0;
	s5 =	sld [smem:$0x3FB1]  }
0x2b: {  	s6 =	sld [smem:$0x3FB2]  }
0x2c: {  	s7 =	sld [smem:$0x3FB3]  }
0x2d: {  	s3 =	simm.s32 $0x108;
	s8 =	sld [smem:$0x3FB4]  }
0x2e: {  	s3 =	simm.s32 @!p0 $0x1082;
	s9 =	sld [smem:$0x3FB5]  }
0x2f: {  	lr =	sadd.s32 s0, s3;
	s0 =	sld [smem:$0x3FAC]  }
0x30: {  	s3 =	sld [smem:$0x3FAF]  }
0x31: {  	[smem:$0x3FB8] =	sst s10  }
0x32: {  	s10 =	sld [smem:$0x3FB6];
	_ =	sdelay $0x3  }
0x33: {  	p0 =	seq.s32 s10, $0x1;
	s10 =	sld [smem:$0x3FB8];
	_ =	sdelay $0x3  }
0x34: {  	[smem:$0x3FB8] =	sst s10  }
0x35: {  	s10 =	sld [smem:$0x3FB7];
	_ =	sdelay $0x3  }
0x36: {  	p1 =	seq.s32 s10, $0x1;
	s10 =	sld [smem:$0x3FB8];
	_ =	sdelay $0x3  }
0x37: {  	[smem:$0x3FB8] =	sst s10  }
0x38: {  	s10 =	sld [smem:$0x3FB9]  }
0x39: {  	_ = 	snop;
	(pc) =	sbr.ind lr, $3  }
0x3a: {  	_ = 	snop  }
0x3b: {  	_ = 	snop  }
0x3c: {  	p2 =	seq.s32 s10, $0x1;
	s10 =	sld [smem:$0x3FB8]  }
0x3d: {  	_ =	shalt  }
0x3e: {  	_ =	shalt  }
0x3f: {  	_ =	shalt  }
0x40: {  	_ =	shalt  }
0x41: {  	_ =	shalt  }
0x42: {  	_ =	shalt  }
0x43: {  	_ =	shalt  }
0x44: {  	_ =	shalt  }
0x45: {  	_ =	shalt  }
0x46: {  	_ =	shalt  }
0x47: {  	_ =	shalt  }
0x48: {  	_ =	shalt  }
0x49: {  	_ =	shalt  }
0x4a: {  	_ =	shalt  }
0x4b: {  	_ =	shalt  }
0x4c: {  	_ =	shalt  }
0x4d: {  	_ =	shalt  }
0x4e: {  	_ =	shalt  }
0x4f: {  	_ =	shalt  }
0x50: {  	_ =	shalt  }
0x51: {  	_ =	shalt  }
0x52: {  	_ =	shalt  }
0x53: {  	_ =	shalt  }
0x54: {  	_ =	shalt  }
0x55: {  	_ =	shalt  }
0x56: {  	_ =	shalt  }
0x57: {  	_ =	shalt  }
0x58: {  	_ =	shalt  }
0x59: {  	_ =	shalt  }
0x5a: {  	_ =	shalt  }
0x5b: {  	_ =	shalt  }
0x5c: {  	_ =	shalt  }
0x5d: {  	_ =	shalt  }
0x5e: {  	_ =	shalt  }
0x5f: {  	_ =	shalt  }
0x60: {  	_ =	shalt  }
0x61: {  	_ =	shalt  }
0x62: {  	_ =	shalt  }
0x63: {  	_ =	shalt  }
0x64: {  	_ =	shalt  }
0x65: {  	_ =	shalt  }
0x66: {  	_ =	shalt  }
0x67: {  	_ =	shalt  }
0x68: {  	_ =	shalt  }
0x69: {  	_ =	shalt  }
0x6a: {  	_ =	shalt  }
0x6b: {  	_ =	shalt  }
0x6c: {  	_ =	shalt  }
0x6d: {  	_ =	shalt  }
0x6e: {  	_ =	shalt  }
0x6f: {  	_ =	shalt  }
0x70: {  	_ =	shalt  }
0x71: {  	_ =	shalt  }
0x72: {  	_ =	shalt  }
0x73: {  	_ =	shalt  }
0x74: {  	_ =	shalt  }
0x75: {  	_ =	shalt  }
0x76: {  	_ =	shalt  }
0x77: {  	_ =	shalt  }
0x78: {  	_ =	shalt  }
0x79: {  	_ =	shalt  }
0x7a: {  	_ =	shalt  }
0x7b: {  	_ =	shalt  }
0x7c: {  	_ =	shalt  }
0x7d: {  	_ =	shalt  }
0x7e: {  	_ =	shalt  }
0x7f: {  	_ =	shalt  }
0x80: {  	_ =	shalt  }
0x81: {  	_ =	shalt  }
0x82: {  	_ =	shalt  }
0x83: {  	_ =	shalt  }
0x84: {  	_ =	shalt  }
0x85: {  	_ =	shalt  }
0x86: {  	_ =	shalt  }
0x87: {  	_ =	shalt  }
.Lfunc_end0:
.L_simem_size_0:
called_computation_lowered:
.L_overlay_start_0:
0x88: {  	s2 =	sld [smem:$0x3FD9]  }
0x89: {  	s3 =	sld [smem:$0x3FFE];
	_ =	sdelay $0x1  }
0x8a: {  	s1 =	srdreg.scid  }
0x8b: {  	s0 =	sand.u32 $0x1, s1  }
0x8c: {  	s17 =	sshll.u32 s0, $0xA;
	s2 =	sadd.s32 s3, s2  }
0x8d: {  	s2 =	sadd.s32 s2, s17  }
0x8e: {  	[smem:$0x3FC4] =	sst s2  }
0x8f: {  	_ = 	snop  }
0x90: {  	s2 =	sld [smem:$0x3FC9]  }
0x91: {  	s18 =	sld [smem:$0x3FD0];
	(tm) =	ssettm $0x1  }
0x92: {  	s4 =	sld [smem:$0x3FFB];
	_ =	sdelay $0x3  }
0x93: {  	_ =	strace s4  }
0x94: {  	s4 =	sld [smem:$0x3FFC];
	_ =	sdelay $0x3  }
0x95: {  	_ =	strace s4  }
0x96: {  	s4 =	sld [smem:$0x3FFD];
	_ =	sdelay $0x3  }
0x97: {  	_ =	strace s4  }
0x98: {  	_ =	strace $0x8FFFFFFF  }
0x99: {  	s19 =	sld [smem:$0x3FDB];
	_ =	sdelay $0x1  }
0x9a: {  	s5 =	simm.s32 $_scs_section_size  }
0x9b: {  	s6 =	simm.s32 $_size__tile_overlayer_lowered;
	s7 =	simm.s32 $_tile_overlayer_lowered  }
0x9c: {  	s22 =	simm.s32 $0x1BFF;
	s21 =	sshll.u32 s7, $0x1;
	s4 =	sadd.s32 s5, s19  }
0x9d: {  	s8 =	simm.s32 $0x0;
	s20 =	sshll.u32 s6, $0x1;
	s6 =	sadd.s32 s21, s4  }
0x9e: {  	[timem:s8], [sflag:s22] =	dma.local [hbm:s6], s20  }
0x9f: {  	_ =	swait.ge [sflag:s22], s20  }
0xa0: {  	s5 =	ssub.s32 $0x0, s20;
	[sflag:s22] =	ssyncset.done $0x0  }
0xa1: {  	[sflag:s22] =	ssyncadd.s32 s5;
	_ =	sdelay $0x1  }
0xa2: {  	s23 =	simm.s32 $0x1B8B  }
0xa3: {  	_ =	swait.ge [sflag:s23], $0x1  }
0xa4: {  	[sflag:s23] =	ssyncset.done $0x0  }
0xa5: {  	s25 =	simm.s32 $0x1B8E;
	s24 =	sld [smem:$0x3FFE];
	[sflag:s23] =	ssyncadd.s32 $0xFFFFFFFF  }
0xa6: {  	s26 =	simm.s32 $execute0_lowered;
	[smem:$0x3FD2] =	sst s25  }
0xa7: {  	s6 =	sshll.u32 s26, $0x1;
	_ =	strace $0x80000046;
	[dreg:$0x1] =	wrdreg $0xFFFFFFFF  }
0xa8: {  	s28 =	simm.s32 $_size_execute0_lowered;
	s4 =	sadd.s32 s4, s6;
	[dreg:$0x0] =	wrdreg $0x0  }
0xa9: {  	s6 =	sshll.u32 s28, $0x1;
	[dreg:$0x2] =	wrdreg s4  }
0xaa: {  	[dreg:$0x3] =	wrdreg s6  }
0xab: {  	[dreg:$0x4] =	wrdreg $0xC0  }
0xac: {  	_ =	task [dreg:s8], $0x5FFFF  }
0xad: {  	[dreg:$0x1] =	wrdreg $0xFFFFFFFF  }
0xae: {  	[dreg:$0x0] =	wrdreg $0x60  }
0xaf: {  	[dreg:$0x2] =	wrdreg s2  }
0xb0: {  	[dreg:$0x3] =	wrdreg s18  }
0xb1: {  	[dreg:$0x4] =	wrdreg s24  }
0xb2: {  	[dreg:$0x5] =	wrdreg $0xBC000  }
0xb3: {  	[dreg:$0x6] =	wrdreg $0x1FC000  }
0xb4: {  	[dreg:$0x7] =	wrdreg $0x9  }
0xb5: {  	_ =	task.clear_ibuf [dreg:s8], $0x8FFFF;
	_ =	strace $0x90000046  }
0xb6: {  	s29 =	simm.s32 $0x9;
	_ =	strace $0x80000048  }
0xb7: {  	_ =	swait.ge [sflag:s29], $0x1  }
0xb8: {  	[sflag:s29] =	ssyncadd.s32 $0xFFFFFFFF  }
0xb9: {  	_ =	strace $0x90000048  }
0xba: {  	_ =	sfence  }
0xbb: {  	s30 =	sld [smem:$0x0];
	_ =	sdelay $0x2  }
0xbc: {  	s31 =	sshll.u32 s1, $0xD;
	s1 =	sshrl.u32 s1, $0x2  }
0xbd: {  	s3 =	sand.u32 $0x4000, s31;
	s1 =	sadd.s32 s1, s30  }
0xbe: {  	s0 =	sor.u32 s3, s0;
	s1 =	sshll.u32 s1, $0x11  }
0xbf: {  	s0 =	sor.u32 s1, s0  }
0xc0: {  	s0 =	sadd.s32 $0x8F2B, s0  }
0xc1: {  	[sflag:s0] =	ssyncadd.remote.s32 $0x1  }
0xc2: {  	_ =	sfence.sel $0xFFFF  }
0xc3: {  	[dreg:$0x0] =	wrdreg $0xFFFFFFFF;
	(pc) =	sbr.abs _section_cstart, $3  }
0xc4: {  	[dreg:$0x1] =	wrdreg $0xFFFFFFFF  }
0xc5: {  	_ =	task.clear_ibuf [dreg:s8], $0x2FFFF;
	_ =	strace $0x9FFFFFFF  }
0xc6: {  	(tm) =	ssettm $0x7FFFFFFF  }
0xc7: {  	_ =	shalt  }
tec
execute0_lowered:
.L_overlay_start_1:
0x0: {  	(tag) =	ssettag $0x1  }
0x1: {  	s0 =	rddreg [dreg:$0x0]  }
0x2: {  	s5 =	rddreg [dreg:$0x1]  }
0x3: {  	s2 =	srdreg.scid;
	s18 =	stileid.u32  }
0x4: {  	s1 =	rddreg [dreg:$0x2];
	s8 =	smul.u32 $0x2730, s18  }
0x5: {  	s3 =	rddreg [dreg:$0x4];
	s9 =	smul.u32 $0x280, s18  }
0x6: {  	s4 =	simm.s32 $0x0;
	s29 =	simm.s32 $0x4;
	s11 =	smul.u32 $0x500, s18  }
0x7: {  	s30 =	simm.s32 $0xBB80;
	s31 =	simm.s32 $0x3;
	s14 =	smul.u32 $0x14000, s18  }
0x8: {  	s6 =	sand.u32 $0x1, s2;
	s2 =	rddreg [dreg:$0x3];
	s16 =	smul.u32 $0x2800, s18  }
0x9: {  	[smem:$0x7FF] =	sst s4;
	s24 =	sadd.s32 $0xB400, s1;
	s7 =	smul.u32 $0x27300, s6  }
0xa: {  	s15 =	sadd.s32 $0x33E00, s1;
	s10 =	sshll.u32 s6, $0x4;
	s12 =	smul.u32 $0x140000, s6  }
0xb: {  	s13 =	sshll.u32 s6, $0x7;
	s6 =	ssub.s32 $0x2, s6;
	s10 =	sor.u32 s18, s10  }
0xc: {  	s11 =	sor.u32 s13, s11;
	s25 =	sshrl.u32 s6, $0x1;
	s10 =	smul.u32 $0x2730, s10  }
0xd: {  	s13 =	sadd.s32 $0x80, s9;
	s17 =	sadd.s32 $0x180, s9;
	s20 =	sadd.s32 $0x200, s9  }
0xe: {  	s7 =	sadd.s32 s8, s7;
	s14 =	sadd.s32 s12, s14;
	s10 =	sshrl.u32 s10, $0x3  }
0xf: {  	s19 =	sshll.u32 s17, $0x4;
	s26 =	sshrl.u32 s14, $0x3;
	s5 =	sadd.s32 s5, s10  }
0x10: {  	s14 =	sadd.s32 $0x100, s9;
	s10 =	sadd.s32 s24, s16;
	[dreg:$0x6] =	wrdreg s5  }
0x11: {  	s16 =	sshll.u32 s14, $0x4;
	s5 =	sadd.s32 s15, s26;
	[dreg:$0x8] =	wrdreg s10  }
0x12: {  	s10 =	sshll.u32 s13, $0x7;
	[dreg:$0x7] =	wrdreg s5;
	s5 =	sshll.u32 s13, $0x4  }
0x13: {  	s13 =	sshll.u32 s14, $0x7;
	s14 =	sshll.u32 s17, $0x7;
	s17 =	sadd.s32 s12, s10  }
0x14: {  	s6 =	ssub.s32 s6, s25;
	s5 =	sadd.s32 s24, s5;
	s21 =	sshrl.u32 s17, $0x3  }
0x15: {  	s22 =	sadd.s32 s12, s13;
	s17 =	sshrl.u32 s7, $0x3;
	[dreg:$0x9] =	wrdreg s5  }
0x16: {  	s5 =	sadd.s32 s24, s16;
	s16 =	sshll.u32 s20, $0x7;
	s23 =	sshrl.u32 s22, $0x3  }
0x17: {  	[dreg:$0xa] =	wrdreg s5;
	s5 =	sadd.s32 s24, s19;
	s26 =	sadd.s32 s12, s16  }
0x18: {  	s19 =	sshrl.u32 s11, $0x3;
	[dreg:$0xb] =	wrdreg s5;
	s5 =	sshll.u32 s20, $0x4  }
0x19: {  	s20 =	sshrl.u32 s9, $0x3;
	s7 =	sadd.s32 s19, s1;
	s5 =	sadd.s32 s24, s5  }
0x1a: {  	s24 =	sadd.s32 s12, s14;
	[dreg:$0xc] =	wrdreg s5;
	s5 =	sadd.s32 s15, s21  }
0x1b: {  	s25 =	sshrl.u32 s24, $0x3;
	[dreg:$0xd] =	wrdreg s5;
	s5 =	sadd.s32 s15, s23  }
0x1c: {  	s12 =	sshrl.u32 s26, $0x3;
	[dreg:$0xe] =	wrdreg s5;
	s5 =	sadd.s32 s15, s25  }
0x1d: {  	s8 =	sadd.s32 s20, s1;
	[dreg:$0xf] =	wrdreg s5;
	s5 =	sadd.s32 s15, s12  }
0x1e: {  	[dreg:$0x10] =	wrdreg s5;
	s5 =	sadd.s32 s17, s1;
	s1 =	sadd.s32 $0xAC00, s1  }
0x1f: {  	s22 =	sadd.s32 s9, s3;
	_ =	strace $0x80000047;
	[dreg:$0x11] =	wrdreg s1  }
0x20: {  	s21 =	smul.u32 $0x50000, s18;
	s23 =	sadd.s32 $0xAE00, s8;
	[dreg:$0x12] =	wrdreg s22  }
0x21: {  	s24 =	sadd.s32 $0x33400, s7;
	s7 =	simm.s32 $0x2;
	[dreg:$0x13] =	wrdreg s23  }
0x22: {  	s8 =	simm.s32 $0x0;
	s25 =	smax.u32 s6, $0x1;
	[dreg:$0x14] =	wrdreg s24  }
0x23: {  	s26 =	sshrl.u32 s21, $0x2;
	s6 =	simm.s32 $0x2780;
	[dreg:$0x15] =	wrdreg s25  }
0x24: {  	s22 =	sadd.s32 s26, s2;
	s23 =	sadd.s32 s10, s2;
	s24 =	sadd.s32 s13, s2  }
0x25: {  	s25 =	sadd.s32 s14, s2;
	s26 =	sadd.s32 s16, s2;
	s28 =	sadd.s32 $0xE00, s5  }
0x26: {  	s13 =	simm.s32 $0x58;
	s1 =	simm.s32 $0x6380;
	s5 =	simm.s32 $0x1  }
.LBB2_1:
0x27: {  	s9 =	simm.s32 $0xB  }
0x28: {  	s12 =	sadd.s32 $0x0, s28;
	s10 =	simm.s32 $0x2800;
	s11 =	simm.s32 $0x2780  }
.LBB2_2:
0x29: {  	[tilespmem:s11], [sflag:$0x3] =	stream.linear.gather [hbm4b:s12+s4], $0x58, $0x38;
	[tilespmem:$0x1FE80] =	vst v63  }
0x2a: {  	s12 =	smov.u32 s9;
	s11 =	smov.u32 s10;
	p0 =	sne.s32 s9, $0x4DB  }
.Ltmp0:
0x2b: {  	s9 =	sadd.s32 $0xB, s9;
	(pc) =	sbr.rel @p0 .LBB2_2-.Ltmp0, $2  }
0x2c: {  	_ =	sdelay $0x2  }
0x2d: {  	s10 =	sadd.s32 $0x80, s10;
	s12 =	sadd.s32 s12, s28  }
0x2e: {  	[tilespmem:s11], [sflag:$0x3] =	stream.linear.gather [hbm4b:s12+s4], $0x58, $0x38;
	[tilespmem:$0x1FE80] =	vst v63  }
0x2f: {  	s9 =	rddreg [dreg:$0x6]  }
0x30: {  	[tilespmem:s4], [sflag:$0x4] =	stream.linear.gather [hbm4b:s9+s4], $0x2730, $0x38;
	[tilespmem:$0x1FE80] =	vst v63  }
0x31: {  	_ =	swait.ge [sflag:s29], $0x2730  }
0x32: {  	[sflag:s29] =	ssyncset.done $0x0  }
0x33: {  	s17 =	rddreg [dreg:$0x11];
	[sflag:s29] =	ssyncadd.s32 $0xFFFFD8D0  }
0x34: {  	[tilespmem:s30], [sflag:$0x4] =	stream.linear.gather [hbm4b:s17+s4], $0x80, $0x38;
	[tilespmem:$0x1FE80] =	vst v63  }
0x35: {  	s18 =	stileid.u32;
	_ =	swait.ge [sflag:s29], $0x80  }
0x36: {  	s10 =	sshrl.u32 s22, $0x3;
	s9 =	sshll.u32 s18, $0x6;
	[sflag:s29] =	ssyncset.done $0x0  }
0x37: {  	s9 =	sor.u32 $0x1C04, s9;
	s19 =	rddreg [dreg:$0x8];
	[sflag:s29] =	ssyncadd.s32 $0xFFFFFF80  }
0x38: {  	[spmem:s10], [sflag:s9] =	dma.local [hbm:s19], $0x800  }
0x39: {  	_ =	swait.ge [sflag:s29], $0x800  }
0x3a: {  	[sflag:s29] =	ssyncset.done $0x0  }
0x3b: {  	s11 =	sshrl.u32 s23, $0x3;
	s20 =	rddreg [dreg:$0x9];
	[sflag:s29] =	ssyncadd.s32 $0xFFFFF800  }
0x3c: {  	[spmem:s11], [sflag:s9] =	dma.local [hbm:s20], $0x800  }
0x3d: {  	_ =	swait.ge [sflag:s29], $0x800  }
0x3e: {  	[sflag:s29] =	ssyncset.done $0x0  }
0x3f: {  	s12 =	sshrl.u32 s24, $0x3;
	s14 =	rddreg [dreg:$0xa];
	[sflag:s29] =	ssyncadd.s32 $0xFFFFF800  }
0x40: {  	[spmem:s12], [sflag:s9] =	dma.local [hbm:s14], $0x800  }
0x41: {  	_ =	swait.ge [sflag:s29], $0x800  }
0x42: {  	[sflag:s29] =	ssyncset.done $0x0  }
0x43: {  	s14 =	sshrl.u32 s25, $0x3;
	s15 =	rddreg [dreg:$0xb];
	[sflag:s29] =	ssyncadd.s32 $0xFFFFF800  }
0x44: {  	[spmem:s14], [sflag:s9] =	dma.local [hbm:s15], $0x800  }
0x45: {  	_ =	swait.ge [sflag:s29], $0x800  }
0x46: {  	[sflag:s29] =	ssyncset.done $0x0  }
0x47: {  	s15 =	sshrl.u32 s26, $0x3;
	s16 =	rddreg [dreg:$0xc];
	[sflag:s29] =	ssyncadd.s32 $0xFFFFF800  }
0x48: {  	[spmem:s15], [sflag:s9] =	dma.local [hbm:s16], $0x800  }
0x49: {  	_ =	swait.ge [sflag:s29], $0x800  }
0x4a: {  	[sflag:s29] =	ssyncset.done $0x0;
	s21 =	rddreg [dreg:$0x12]  }
0x4b: {  	s17 =	rddreg [dreg:$0x13];
	[sflag:s29] =	ssyncadd.s32 $0xFFFFF800;
	s16 =	sshrl.u32 s21, $0x3  }
0x4c: {  	[spmem:s16], [sflag:s9] =	dma.local [hbm:s17], $0x50  }
0x4d: {  	_ =	swait.ge [sflag:s29], $0x50  }
0x4e: {  	[sflag:s29] =	ssyncset.done $0x0  }
0x4f: {  	[sflag:s29] =	ssyncadd.s32 $0xFFFFFFB0  }
0x50: {  	_ =	swait.ge [sflag:s31], $0x58  }
0x51: {  	s17 =	simm.s32 $0x71;
	[sflag:s31] =	ssyncset.done $0x0  }
.LBB2_4:
0x52: {  	p0 =	sne.s32 s17, $0x1;
	s17 =	sadd.s32 $0xFFFFFFFF, s17;
	[sflag:s31] =	ssyncadd.s32 $0xFFFFFFA8  }
.Ltmp1:
0x53: {  	(pc) =	sbr.rel @p0 .LBB2_4-.Ltmp1, $3  }
0x54: {  	_ =	sdelay $0x1  }
0x55: {  	_ =	swait.ge [sflag:s31], $0x58  }
0x56: {  	[sflag:s31] =	ssyncset.done $0x0  }
0x57: {  	[sflag:s31] =	ssyncadd.s32 $0xFFFFFFA8  }
0x58: {  	[tilespmem:s1], [sflag:$0x1] =	stream.indirect.gather [hbm4b:s0+s13], $0x80, s4, s13, $0xb8;
	[tilespmem:$0x1FE80] =	vst v63  }
0x59: {  	[bflag:$0x0] =	sbarrier.arrive $0xFFFF  }
0x5a: {  	_ =	swait.ge [sflag:s5], $0x2C00  }
0x5b: {  	[sflag:s5] =	ssyncset.done $0x0  }
0x5c: {  	[sflag:s5] =	ssyncadd.s32 $0xFFFFD400  }
0x5d: {  	[spmem:s2] =	stream.indirect.scatter.add.f32 [tilespmem:s1], [sflag:$0x2], $0x80, s6, s13, $0xb8;
	[tilespmem:$0x1FE80] =	vst v63  }
0x5e: {  	_ = 	snop  }
0x5f: {  	[spmem:s3] =	stream.indirect.scatter.add.f32 [tilespmem:s30], [sflag:$0x2], $0x1, s6, s13, $0xb8;
	[tilespmem:$0x1FE80] =	vst v63  }
0x60: {  	s17 =	simm.s32 $0x8F80  }
0x61: {  	[tilespmem:s17], [sflag:$0x1] =	stream.indirect.gather [hbm4b:s0+s13], $0x80, s13, s13, $0xb8;
	[tilespmem:$0x1FE80] =	vst v63  }
0x62: {  	s18 =	simm.s32 $0xB0;
	s19 =	simm.s32 $0x2800;
	s17 =	simm.s32 $0x2  }
.LBB2_6:
0x63: {  	_ =	swait.ge [sflag:s5], $0x2C00  }
0x64: {  	[sflag:s5] =	ssyncset.done $0x0  }
0x65: {  	[sflag:s5] =	ssyncadd.s32 $0xFFFFD400  }
0x66: {  	_ =	swait.ge [sflag:s7], $0x2C00  }
0x67: {  	[sflag:s7] =	ssyncset.done $0x0  }
0x68: {  	[sflag:s7] =	ssyncadd.s32 $0xFFFFD400  }
0x69: {  	s20 =	sand.u32 $0x1, s17;
	_ =	swait.ge [sflag:s7], $0x58  }
0x6a: {  	p0 =	seq.s32 s20, $0x1;
	s20 =	simm.s32 $0x6380;
	[sflag:s7] =	ssyncset.done $0x0  }
0x6b: {  	s20 =	simm.s32 @!p0 $0x8F80;
	p0 =	seq.s32 s17, $0x72;
	[sflag:s7] =	ssyncadd.s32 $0xFFFFFFA8  }
0x6c: {  	[spmem:s2] =	stream.indirect.scatter.add.f32 [tilespmem:s20], [sflag:$0x2], $0x80, s19, s13, $0xb8;
	[tilespmem:$0x1FE80] =	vst v63  }
0x6d: {  	s20 =	sand.u32 @!p0 $0x1, s17  }
0x6e: {  	p1 =	seq.s32 @!p0 s20, $0x1  }
0x6f: {  	s17 =	sadd.s32 @!p0 $0x1, s17;
	s20 =	simm.s32 @!p0 $0x8F80;
	p1 =	por !p1, p0  }
0x70: {  	s20 =	simm.s32 @p1 $0x6380;
	p1 =	sne.s32 @!p0 s17, $0x73  }
0x71: {  	p1 =	por p0, !p1  }
.Ltmp2:
0x72: {  	_ = 	snop;
	(pc) =	sbr.rel @!p1 .LBB2_6-.Ltmp2, $4  }
0x73: {  	[spmem:s3] =	stream.indirect.scatter.add.f32 [tilespmem:s30], [sflag:$0x2], $0x1, s19, s13, $0xb8;
	[tilespmem:$0x1FE80] =	vst v63  }
0x74: {  	s21 =	simm.s32 @!p0 $0x58  }
0x75: {  	[tilespmem:s20], [sflag:$0x1] =	stream.indirect.gather @!p0 [hbm4b:s0+s21], $0x80, s18, s21, $0xb8;
	[tilespmem:$0x1FE80] =	vst v63  }
0x76: {  	s19 =	sadd.s32 @!p0 $0x80, s19;
	s18 =	sadd.s32 @!p0 $0x58, s18  }
0x77: {  	_ =	swait.ge [sflag:s7], $0x2C00  }
0x78: {  	[sflag:s7] =	ssyncset.done $0x0  }
0x79: {  	[sflag:s7] =	ssyncadd.s32 $0xFFFFD400  }
0x7a: {  	_ =	swait.ge [sflag:s7], $0x58  }
0x7b: {  	[sflag:s7] =	ssyncset.done $0x0  }
0x7c: {  	[sflag:s7] =	ssyncadd.s32 $0xFFFFFFA8  }
0x7d: {  	[bflag:$0x0] =	sbarrier.arrive $0xFFFF  }
0x7e: {  	s17 =	rddreg [dreg:$0x7]  }
0x7f: {  	[hbm:s17], [sflag:s9] =	dma.local [spmem:s10], $0x800  }
0x80: {  	_ =	swait.ge [sflag:s29], $0x800  }
0x81: {  	[sflag:s29] =	ssyncset.done $0x0  }
0x82: {  	s21 =	rddreg [dreg:$0xd];
	[sflag:s29] =	ssyncadd.s32 $0xFFFFF800  }
0x83: {  	[hbm:s21], [sflag:s9] =	dma.local [spmem:s11], $0x800  }
0x84: {  	_ =	swait.ge [sflag:s29], $0x800  }
0x85: {  	[sflag:s29] =	ssyncset.done $0x0  }
0x86: {  	s11 =	rddreg [dreg:$0xe];
	[sflag:s29] =	ssyncadd.s32 $0xFFFFF800  }
0x87: {  	[hbm:s11], [sflag:s9] =	dma.local [spmem:s12], $0x800  }
0x88: {  	_ =	swait.ge [sflag:s29], $0x800  }
0x89: {  	[sflag:s29] =	ssyncset.done $0x0  }
0x8a: {  	s12 =	rddreg [dreg:$0xf];
	[sflag:s29] =	ssyncadd.s32 $0xFFFFF800  }
0x8b: {  	[hbm:s12], [sflag:s9] =	dma.local [spmem:s14], $0x800  }
0x8c: {  	_ =	swait.ge [sflag:s29], $0x800  }
0x8d: {  	[sflag:s29] =	ssyncset.done $0x0  }
0x8e: {  	s17 =	rddreg [dreg:$0x10];
	[sflag:s29] =	ssyncadd.s32 $0xFFFFF800  }
0x8f: {  	[hbm:s17], [sflag:s9] =	dma.local [spmem:s15], $0x800  }
0x90: {  	_ =	swait.ge [sflag:s29], $0x800  }
0x91: {  	s19 =	simm.s32 $0x20;
	[sflag:s29] =	ssyncset.done $0x0  }
0x92: {  	s20 =	simm.s32 $0x10;
	s18 =	rddreg [dreg:$0x14];
	[sflag:s29] =	ssyncadd.s32 $0xFFFFF800  }
0x93: {  	[hbm:s18@s19], [sflag:s9] =	dma.strided [spmem:s16@s20], $0x50, s5, $0x10   }
0x94: {  	_ =	swait.ge [sflag:s29], $0x50  }
0x95: {  	s8 =	sadd.s32 $0x1, s8;
	s21 =	rddreg [dreg:$0x15]  }
0x96: {  	p0 =	sne.s32 s8, s21  }
.Ltmp3:
0x97: {  	_ = 	snop;
	(pc) =	sbr.rel @p0 .LBB2_1-.Ltmp3, $3  }
0x98: {  	_ =	sdelay $0x1  }
0x99: {  	[sflag:s29] =	ssyncset.done $0x0  }
0x9a: {  	[sflag:s29] =	ssyncadd.s32 $0xFFFFFFB0  }
0x9b: {  	_ =	sfence.sel $0x180000  }
0x9c: {  	[bflag:$0x0] =	sbarrier.arrive $0xFFFF  }
0x9d: {  	_ =	strace $0x90000047  }
0x9e: {  	s0 =	stileid.u32;
	[bflag:$0x2] =	sbarrier.arrive $0xFFFF  }
0x9f: {  	p0 =	sne.s32 s0, $0x0;
	s0 =	rddreg [dreg:$0x5]  }
0xa0: {  	s0 =	sadd.s32 @!p0 $0x100000, s0  }
0xa1: {  	[sflag:s0] =	ssyncadd.tile.s32 @!p0 $0x1;
	_ =	shalt  }
.Lfunc_end2:
_tile_overlayer_lowered:
.L_overlay_start_2:
0xa2: {  	(tag) =	ssettag $0x2  }
0xa3: {  	s0 =	rddreg [dreg:$0x0];
	s2 =	stileid.u32  }
0xa4: {  	s1 =	rddreg [dreg:$0x1];
	p0 =	sne.s32 s2, $0x0  }
0xa5: {  	s3 =	rddreg [dreg:$0x2];
	[bflag:$0x3] =	sbarrier.arrive $0xFFFF;
	s2 =	simm.s32 @!p0 $0x1C04  }
0xa6: {  	[timem:s3], [sflag:s2] =	dma.local @!p0 [hbm:s0], s1  }
0xa7: {  	s0 =	simm.s32 @!p0 $0x4  }
0xa8: {  	_ =	swait.ge @!p0 [sflag:s0], s1  }
0xa9: {  	s1 =	ssub.s32 @!p0 $0x0, s1;
	[sflag:s0] =	ssyncset.done @!p0 $0x0  }
0xaa: {  	[sflag:s0] =	ssyncadd.s32 @!p0 s1  }
0xab: {  	[bflag:$0x3] =	sbarrier.arrive $0xFFFF  }
0xac: {  	_ =	shalt  }

</sc_bundles>
